<compile_context>
chip_gen: v7x
topology: tpu7x:2x2x1
jax: 0.10.2.dev20260603
libtpu: 0.0.44.dev20260713+nightly
codegen_flags: <defaults>
</compile_context>

<pallas_src>
import jax
import jax.numpy as jnp
from jax import lax
from jax.experimental import pallas as pl
from jax.experimental.pallas import tpu as pltpu
from jax.experimental.pallas import tpu_sc as plsc

_N_EMB = 8192
_D = 256
_ALPHA = -5.0
_BK = 1024
_NK = _N_EMB // _BK
_N = 2304
_NC = 2
_NS = 16
_BPW = _N // (_NC * _NS)
_PREC = jax.lax.Precision.DEFAULT


def _pass0_kernel(x_ref, emb_ref, idx_ref, w_ref, commit_ref, xt_ref,
                  ae2_ref, l_ref):
    j = pl.program_id(0)
    e = emb_ref[...]

    @pl.when(j == 0)
    def _init():
        x = x_ref[...]
        xt_ref[...] = x.T
        commit_ref[...] = jnp.sum(x * x) * jnp.ones((1, 1), jnp.float32)
        w_ref[...] = jnp.full((1, _N), -jnp.inf, dtype=jnp.float32)
        l_ref[...] = jnp.zeros((1, _N), dtype=jnp.float32)
        idx_ref[...] = jnp.zeros((1, _N), dtype=jnp.int32)

    ae2 = _ALPHA * jnp.sum(e * e, axis=1, keepdims=True)
    ae2_ref[...] = ae2
    xe = jnp.dot(e, xt_ref[...], preferred_element_type=jnp.float32,
                 precision=_PREC)
    d = ae2 + (-2.0 * _ALPHA) * xe

    bm = jnp.max(d, axis=0, keepdims=True)
    iota = jax.lax.broadcasted_iota(jnp.int32, (_BK, _N), 0)
    barg = jnp.min(jnp.where(d == bm, iota, _N_EMB), axis=0,
                   keepdims=True) + j * _BK
    m_old = w_ref[...]
    m_new = jnp.maximum(m_old, bm)
    l_ref[...] = (l_ref[...] * jnp.exp(m_old - m_new)
                  + jnp.sum(jnp.exp(d - m_new), axis=0, keepdims=True))
    w_ref[...] = m_new
    idx_ref[...] = jnp.where(bm > m_old, barg, idx_ref[...])

    @pl.when(j == _NK - 1)
    def _fini():
        commit_ref[...] = (jnp.sum(w_ref[...]) / _ALPHA + commit_ref[...]) \
            / (_N * _D)
        w_ref[...] = w_ref[...] + jnp.log(l_ref[...])


def _pass1_kernel(xt_ref, emb_ref, ae2_ref, w_ref, counts_ref, code_ref,
                  prob_ref):
    j = pl.program_id(0)
    e = emb_ref[...]

    @pl.when(j == 0)
    def _init():
        prob_ref[...] = jnp.zeros((1, 1), dtype=jnp.float32)

    xe = jnp.dot(e, xt_ref[...], preferred_element_type=jnp.float32,
                 precision=_PREC)
    d = ae2_ref[...] + (-2.0 * _ALPHA) * xe

    pb = jnp.exp(d - w_ref[...])
    col = jnp.sum(pb, axis=1, keepdims=True) / _N
    prob_ref[...] = prob_ref[...] - jnp.sum(col * jnp.log2(col + 1e-10))

    @pl.when(j == _NK - 1)
    def _fini():
        hp = (counts_ref[0:1, :] + counts_ref[1:2, :]) / _N
        code_ref[...] = -jnp.sum(hp * jnp.log2(hp + 1e-10)) \
            * jnp.ones((1, 1), jnp.float32)


def _sc_gather_hist(emb, idx_flat, ones, zeros):
    mesh = plsc.VectorSubcoreMesh(core_axis_name="c", subcore_axis_name="s")

    @pl.kernel(
        out_type=[jax.ShapeDtypeStruct((_N, _D), jnp.float32),
                  jax.ShapeDtypeStruct((_NC, _N_EMB), jnp.float32)],
        mesh=mesh,
        scratch_types=[
            pltpu.VMEM((_BPW,), jnp.int32),
            pltpu.VMEM((_BPW, _D), jnp.float32),
            pltpu.VMEM((_BPW,), jnp.float32),
            pltpu.VMEM_SHARED((_N_EMB,), jnp.float32),
            pltpu.SemaphoreType.DMA,
        ],
    )
    def k(emb_hbm, idx_hbm, ones_hbm, zeros_hbm, out_hbm, cnt_hbm,
          idx_v, rows_v, ones_v, hist_sh, sem):
        cid = lax.axis_index("c")
        sid = lax.axis_index("s")
        wid = cid * _NS + sid
        base = wid * _BPW

        @pl.when(sid == 0)
        def _():
            pltpu.sync_copy(zeros_hbm, hist_sh)

        pltpu.sync_copy(idx_hbm.at[pl.ds(base, _BPW)], idx_v)
        pltpu.sync_copy(ones_hbm.at[pl.ds(base, _BPW)], ones_v)
        pltpu.async_copy(emb_hbm.at[idx_v], rows_v, sem).wait()
        pltpu.sync_copy(rows_v, out_hbm.at[pl.ds(base, _BPW)])
        plsc.subcore_barrier()
        pltpu.sync_copy(ones_v, hist_sh.at[idx_v], add=True)
        plsc.subcore_barrier()

        @pl.when(sid == 0)
        def _():
            pltpu.sync_copy(hist_sh, cnt_hbm.at[cid])

    return k(emb, idx_flat, ones, zeros)


def kernel(x, embedding):
    bsz, tsz, csz = x.shape
    x_flat = x.reshape(-1, csz)
    emb = embedding.reshape(_N_EMB, _D)

    idx, w, commit, xt, ae2 = pl.pallas_call(
        _pass0_kernel,
        grid=(_NK,),
        in_specs=[
            pl.BlockSpec((_N, _D), lambda j: (0, 0)),
            pl.BlockSpec((_BK, _D), lambda j: (j, 0)),
        ],
        out_specs=[
            pl.BlockSpec((1, _N), lambda j: (0, 0)),
            pl.BlockSpec((1, _N), lambda j: (0, 0)),
            pl.BlockSpec((1, 1), lambda j: (0, 0)),
            pl.BlockSpec((_D, _N), lambda j: (0, 0)),
            pl.BlockSpec((_BK, 1), lambda j: (j, 0)),
        ],
        out_shape=[
            jax.ShapeDtypeStruct((1, _N), jnp.int32),
            jax.ShapeDtypeStruct((1, _N), jnp.float32),
            jax.ShapeDtypeStruct((1, 1), jnp.float32),
            jax.ShapeDtypeStruct((_D, _N), jnp.float32),
            jax.ShapeDtypeStruct((_N_EMB, 1), jnp.float32),
        ],
        scratch_shapes=[pltpu.VMEM((1, _N), jnp.float32)],
    )(x_flat, emb)

    quant, counts = _sc_gather_hist(
        emb, idx.reshape(_N),
        jnp.ones((_N,), jnp.float32), jnp.zeros((_N_EMB,), jnp.float32))

    code, prob = pl.pallas_call(
        _pass1_kernel,
        grid=(_NK,),
        in_specs=[
            pl.BlockSpec((_D, _N), lambda j: (0, 0)),
            pl.BlockSpec((_BK, _D), lambda j: (j, 0)),
            pl.BlockSpec((_BK, 1), lambda j: (j, 0)),
            pl.BlockSpec((1, _N), lambda j: (0, 0)),
            pl.BlockSpec((_NC, _N_EMB), lambda j: (0, 0)),
        ],
        out_specs=[
            pl.BlockSpec((1, 1), lambda j: (0, 0)),
            pl.BlockSpec((1, 1), lambda j: (0, 0)),
        ],
        out_shape=[
            jax.ShapeDtypeStruct((1, 1), jnp.float32),
            jax.ShapeDtypeStruct((1, 1), jnp.float32),
        ],
    )(xt, emb, ae2, w, counts)

    quantized = quant.reshape(bsz, tsz, csz)
    quantization_inds = idx.reshape(bsz, tsz, 1)
    return (quantized, code[0, 0], prob[0, 0], quantization_inds,
            commit[0, 0])

# --- scband reference (transcript-rebuilt; emitter-appended) ---
"""Pipeline reference for scband-gumbel-vector-quantizer-80788334838455 (READ-ONLY COPY).

The authoritative reference and input builder live on the scoring server;
editing this copy changes nothing except your own understanding.
"""

import jax, jax.numpy as jnp
import numpy as np

N_EMB = 8192
D = 256
ALPHA = -5.0

def setup_inputs(seed: int = 0) -> dict:
    key = jax.random.key(seed)
    k1, k2 = jax.random.split(key)
    x = jax.random.normal(k1, (4, 576, D), dtype=jnp.float32)
    # learned codebook: torch shape (1, n_embeddings, embedding_dim), uniform(-1, 1)
    embedding = jax.random.uniform(k2, (1, N_EMB, D), dtype=jnp.float32, minval=-1.0, maxval=1.0)
    return {"x": x, "embedding": embedding}

def reference(x, embedding):
    # Faithful translation of GumbelVectorQuantizer.forward in eval mode
    # (deterministic hard argmax path; gumbel sampling is stochastic and only
    # used in training mode). groups=1, combine_groups=False (forced in __init__).
    bsz, tsz, csz = x.shape
    emb = embedding[0]  # [M, D]
    x_flat = x.reshape(-1, csz)  # [N, D], N = bsz*tsz
    # addmm: ||e||^2 + ||x||^2 - 2 x e^T
    distances = (jnp.sum(emb ** 2, axis=1)[None, :]
                 + jnp.sum(x_flat ** 2, axis=1, keepdims=True)
                 - 2.0 * (x_flat @ emb.T))  # [N, M]
    distances_map = ALPHA * distances  # alpha = -5
    k = jnp.argmax(distances_map, axis=-1)  # [N]
    hard_x = jax.nn.one_hot(k, N_EMB, dtype=distances_map.dtype)  # [N, M] (scatter of 1.0)
    hard_probs = jnp.mean(hard_x, axis=0)  # groups=1 -> mean over tokens
    code_perplexity = -jnp.sum(hard_probs * jnp.log2(hard_probs + 1e-10), axis=-1)
    avg_probs = jnp.mean(jax.nn.softmax(distances_map.astype(jnp.float32), axis=-1), axis=0)
    prob_perplexity = -jnp.sum(avg_probs * jnp.log2(avg_probs + 1e-10), axis=-1)
    # eval path: distances_map = hard_x
    quantization_inds = jnp.argmax(hard_x, axis=-1).reshape(bsz, tsz, 1)
    # (hard_x.unsqueeze(-1) * vars).sum over codebook dim == hard_x @ emb (same math)
    quantized = (hard_x @ emb).reshape(bsz, tsz, -1)
    commitment_loss = jnp.mean((x - jax.lax.stop_gradient(quantized)) ** 2)
    return quantized, code_perplexity, prob_perplexity, quantization_inds, commitment_loss

if __name__ == "__main__":
    import jax
    _d = setup_inputs()
    print(jax.jit(kernel)(*tuple(_d.values())))

</pallas_src>

<mosaic_0001>
#map = affine_map<(d0, d1) -> (0, 0)>
#map1 = affine_map<(d0, d1) -> (0)>
module attributes {stable_mosaic.version = 14 : i64} {
  func.func @k(%arg0: i32, %arg1: i32, %arg2: memref<8192x256xf32, #tpu.memory_space<hbm>>, %arg3: memref<2304xi32, #tpu.memory_space<hbm>>, %arg4: memref<2304xf32, #tpu.memory_space<hbm>>, %arg5: memref<8192xf32, #tpu.memory_space<hbm>>, %arg6: memref<2304x256xf32, #tpu.memory_space<hbm>>, %arg7: memref<2x8192xf32, #tpu.memory_space<hbm>>, %arg8: memref<72xi32, #tpu.memory_space<vmem>>, %arg9: memref<72x256xf32, #tpu.memory_space<vmem>>, %arg10: memref<72xf32, #tpu.memory_space<vmem>>, %arg11: memref<8192xf32, #tpu.memory_space<vmem_shared>>, %arg12: memref<!tpu.dma_semaphore, #tpu.memory_space<semaphore_mem>>) attributes {dimension_semantics = [#tpu.dimension_semantics<core_parallel>, #tpu.dimension_semantics<subcore_parallel>], iteration_bounds = array<i64: 2, 16>, scalar_prefetch = 0 : i64, scratch_operands = 5 : i64, tpu.core_type = #tpu.core_type<sc_vector_subcore>, window_params = [{transform_indices = #map}, {transform_indices = #map1}, {transform_indices = #map1}, {transform_indices = #map1}, {transform_indices = #map}, {transform_indices = #map}]} {
    %mul3A = arith.constant 16 : i32
    %mul3A_0 = arith.muli %arg0, %mul3A : i32
    %add3A = arith.addi %mul3A_0, %arg1 : i32
    %mul3A_1 = arith.constant 72 : i32
    %mul3A_2 = arith.muli %add3A, %mul3A_1 : i32
    %eq3A = arith.constant 0 : i32
    %eq3A_3 = arith.cmpi eq, %arg1, %eq3A : i32
    %convert_element_type3A = arith.extui %eq3A_3 : i1 to i32
    %cond3A = arith.constant 0 : i32
    %cond3A_4 = arith.cmpi ne, %convert_element_type3A, %cond3A : i32
    scf.if %cond3A_4 {
      "tpu.region"() ({
        %run_scoped3A = tpu.sem_alloc : memref<!tpu.dma_semaphore, #tpu.memory_space<semaphore_mem>>
        tpu.enqueue_dma source(%arg5 : memref<8192xf32, #tpu.memory_space<hbm>>) target(%arg11 : memref<8192xf32, #tpu.memory_space<vmem_shared>>) target_semaphore(%run_scoped3A : memref<!tpu.dma_semaphore, #tpu.memory_space<semaphore_mem>>)
        tpu.wait_dma2 semaphore(%run_scoped3A : memref<!tpu.dma_semaphore, #tpu.memory_space<semaphore_mem>>) src(%arg5 : memref<8192xf32, #tpu.memory_space<hbm>>) dst(%arg11 : memref<8192xf32, #tpu.memory_space<vmem_shared>>)
        tpu.yield
      }) : () -> ()
    } else {
    }
    "tpu.region"() ({
      %run_scoped3A = tpu.sem_alloc : memref<!tpu.dma_semaphore, #tpu.memory_space<semaphore_mem>>
      %dma_start3A_15 = tpu.memref_slice %arg3[%mul3A_2] : memref<2304xi32, #tpu.memory_space<hbm>> -> memref<72xi32, #tpu.memory_space<hbm>>
      %dma_start3A_16 = tpu.memref_slice %arg3[%mul3A_2] : memref<2304xi32, #tpu.memory_space<hbm>> -> memref<72xi32, #tpu.memory_space<hbm>>
      tpu.enqueue_dma source(%dma_start3A_16 : memref<72xi32, #tpu.memory_space<hbm>>) target(%arg8 : memref<72xi32, #tpu.memory_space<vmem>>) target_semaphore(%run_scoped3A : memref<!tpu.dma_semaphore, #tpu.memory_space<semaphore_mem>>)
      %dma_wait3A_17 = tpu.memref_slice %arg3[%mul3A_2] : memref<2304xi32, #tpu.memory_space<hbm>> -> memref<72xi32, #tpu.memory_space<hbm>>
      %dma_wait3A_18 = tpu.memref_slice %arg3[%mul3A_2] : memref<2304xi32, #tpu.memory_space<hbm>> -> memref<72xi32, #tpu.memory_space<hbm>>
      tpu.wait_dma2 semaphore(%run_scoped3A : memref<!tpu.dma_semaphore, #tpu.memory_space<semaphore_mem>>) src(%dma_wait3A_18 : memref<72xi32, #tpu.memory_space<hbm>>) dst(%arg8 : memref<72xi32, #tpu.memory_space<vmem>>)
      tpu.yield
    }) : () -> ()
    "tpu.region"() ({
      %run_scoped3A = tpu.sem_alloc : memref<!tpu.dma_semaphore, #tpu.memory_space<semaphore_mem>>
      %dma_start3A_15 = tpu.memref_slice %arg4[%mul3A_2] : memref<2304xf32, #tpu.memory_space<hbm>> -> memref<72xf32, #tpu.memory_space<hbm>>
      %dma_start3A_16 = tpu.memref_slice %arg4[%mul3A_2] : memref<2304xf32, #tpu.memory_space<hbm>> -> memref<72xf32, #tpu.memory_space<hbm>>
      tpu.enqueue_dma source(%dma_start3A_16 : memref<72xf32, #tpu.memory_space<hbm>>) target(%arg10 : memref<72xf32, #tpu.memory_space<vmem>>) target_semaphore(%run_scoped3A : memref<!tpu.dma_semaphore, #tpu.memory_space<semaphore_mem>>)
      %dma_wait3A_17 = tpu.memref_slice %arg4[%mul3A_2] : memref<2304xf32, #tpu.memory_space<hbm>> -> memref<72xf32, #tpu.memory_space<hbm>>
      %dma_wait3A_18 = tpu.memref_slice %arg4[%mul3A_2] : memref<2304xf32, #tpu.memory_space<hbm>> -> memref<72xf32, #tpu.memory_space<hbm>>
      tpu.wait_dma2 semaphore(%run_scoped3A : memref<!tpu.dma_semaphore, #tpu.memory_space<semaphore_mem>>) src(%dma_wait3A_18 : memref<72xf32, #tpu.memory_space<hbm>>) dst(%arg10 : memref<72xf32, #tpu.memory_space<vmem>>)
      tpu.yield
    }) : () -> ()
    %dma_start3A = arith.constant 0 : i32
    %dma_start3A_5 = arith.constant 0 : i32
    %dma_start3A_6 = tpu.memref_slice %arg2[%dma_start3A, %dma_start3A_5] : memref<8192x256xf32, #tpu.memory_space<hbm>> -> memref<8192x256xf32, #tpu.memory_space<hbm>>
    tpu.enqueue_indirect_dma source(%dma_start3A_6 : memref<8192x256xf32, #tpu.memory_space<hbm>>) target(%arg9 : memref<72x256xf32, #tpu.memory_space<vmem>>) offsets(%arg8 : memref<72xi32, #tpu.memory_space<vmem>>) semaphore(%arg12 : memref<!tpu.dma_semaphore, #tpu.memory_space<semaphore_mem>>)
    %dma_wait3A = arith.constant 0 : i32
    %dma_wait3A_7 = arith.constant 0 : i32
    %dma_wait3A_8 = tpu.memref_slice %arg2[%dma_wait3A, %dma_wait3A_7] : memref<8192x256xf32, #tpu.memory_space<hbm>> -> memref<8192x256xf32, #tpu.memory_space<hbm>>
    tpu.wait_indirect_dma semaphore(%arg12 : memref<!tpu.dma_semaphore, #tpu.memory_space<semaphore_mem>>) src(%dma_wait3A_8 : memref<8192x256xf32, #tpu.memory_space<hbm>>) dst(%arg9 : memref<72x256xf32, #tpu.memory_space<vmem>>)
    "tpu.region"() ({
      %run_scoped3A = tpu.sem_alloc : memref<!tpu.dma_semaphore, #tpu.memory_space<semaphore_mem>>
      %dma_start3A_15 = arith.constant 0 : i32
      %dma_start3A_16 = tpu.memref_slice %arg6[%mul3A_2, %dma_start3A_15] : memref<2304x256xf32, #tpu.memory_space<hbm>> -> memref<72x256xf32, #tpu.memory_space<hbm>>
      %dma_start3A_17 = arith.constant 0 : i32
      %dma_start3A_18 = tpu.memref_slice %arg6[%mul3A_2, %dma_start3A_17] : memref<2304x256xf32, #tpu.memory_space<hbm>> -> memref<72x256xf32, #tpu.memory_space<hbm>>
      tpu.enqueue_dma source(%arg9 : memref<72x256xf32, #tpu.memory_space<vmem>>) target(%dma_start3A_18 : memref<72x256xf32, #tpu.memory_space<hbm>>) target_semaphore(%run_scoped3A : memref<!tpu.dma_semaphore, #tpu.memory_space<semaphore_mem>>)
      %dma_wait3A_19 = arith.constant 0 : i32
      %dma_wait3A_20 = tpu.memref_slice %arg6[%mul3A_2, %dma_wait3A_19] : memref<2304x256xf32, #tpu.memory_space<hbm>> -> memref<72x256xf32, #tpu.memory_space<hbm>>
      %dma_wait3A_21 = arith.constant 0 : i32
      %dma_wait3A_22 = tpu.memref_slice %arg6[%mul3A_2, %dma_wait3A_21] : memref<2304x256xf32, #tpu.memory_space<hbm>> -> memref<72x256xf32, #tpu.memory_space<hbm>>
      tpu.wait_dma2 semaphore(%run_scoped3A : memref<!tpu.dma_semaphore, #tpu.memory_space<semaphore_mem>>) src(%arg9 : memref<72x256xf32, #tpu.memory_space<vmem>>) dst(%dma_wait3A_22 : memref<72x256xf32, #tpu.memory_space<hbm>>)
      tpu.yield
    }) : () -> ()
    %barrier3A = arith.constant 0 : index
    tpu.barrier barrier_id(%barrier3A)
    "tpu.region"() ({
      %run_scoped3A = tpu.sem_alloc : memref<!tpu.dma_semaphore, #tpu.memory_space<semaphore_mem>>
      %dma_start3A_15 = arith.constant 0 : i32
      %dma_start3A_16 = tpu.memref_slice %arg11[%dma_start3A_15] : memref<8192xf32, #tpu.memory_space<vmem_shared>> -> memref<8192xf32, #tpu.memory_space<vmem_shared>>
      tpu.enqueue_indirect_dma source(%arg10 : memref<72xf32, #tpu.memory_space<vmem>>) target(%dma_start3A_16 : memref<8192xf32, #tpu.memory_space<vmem_shared>>) offsets(%arg8 : memref<72xi32, #tpu.memory_space<vmem>>) semaphore(%run_scoped3A : memref<!tpu.dma_semaphore, #tpu.memory_space<semaphore_mem>>) {add = true}
      %dma_wait3A_17 = arith.constant 0 : i32
      %dma_wait3A_18 = tpu.memref_slice %arg11[%dma_wait3A_17] : memref<8192xf32, #tpu.memory_space<vmem_shared>> -> memref<8192xf32, #tpu.memory_space<vmem_shared>>
      tpu.wait_indirect_dma semaphore(%run_scoped3A : memref<!tpu.dma_semaphore, #tpu.memory_space<semaphore_mem>>) src(%arg10 : memref<72xf32, #tpu.memory_space<vmem>>) dst(%dma_wait3A_18 : memref<8192xf32, #tpu.memory_space<vmem_shared>>)
      tpu.yield
    }) : () -> ()
    %barrier3A_9 = arith.constant 0 : index
    tpu.barrier barrier_id(%barrier3A_9)
    %eq3A_10 = arith.constant 0 : i32
    %eq3A_11 = arith.cmpi eq, %arg1, %eq3A_10 : i32
    %convert_element_type3A_12 = arith.extui %eq3A_11 : i1 to i32
    %cond3A_13 = arith.constant 0 : i32
    %cond3A_14 = arith.cmpi ne, %convert_element_type3A_12, %cond3A_13 : i32
    scf.if %cond3A_14 {
      "tpu.region"() ({
        %run_scoped3A = tpu.sem_alloc : memref<!tpu.dma_semaphore, #tpu.memory_space<semaphore_mem>>
        %dma_start3A_15 = arith.constant 0 : i32
        %dma_start3A_16 = tpu.memref_slice %arg7[%arg0, %dma_start3A_15] : memref<2x8192xf32, #tpu.memory_space<hbm>> -> memref<1x8192xf32, #tpu.memory_space<hbm>>
        %dma_start3A_17 = tpu.memref_squeeze %dma_start3A_16 : memref<1x8192xf32, #tpu.memory_space<hbm>> -> memref<8192xf32, #tpu.memory_space<hbm>>
        tpu.enqueue_dma source(%arg11 : memref<8192xf32, #tpu.memory_space<vmem_shared>>) target(%dma_start3A_17 : memref<8192xf32, #tpu.memory_space<hbm>>) target_semaphore(%run_scoped3A : memref<!tpu.dma_semaphore, #tpu.memory_space<semaphore_mem>>)
        %dma_wait3A_18 = arith.constant 0 : i32
        %dma_wait3A_19 = tpu.memref_slice %arg7[%arg0, %dma_wait3A_18] : memref<2x8192xf32, #tpu.memory_space<hbm>> -> memref<1x8192xf32, #tpu.memory_space<hbm>>
        %dma_wait3A_20 = tpu.memref_squeeze %dma_wait3A_19 : memref<1x8192xf32, #tpu.memory_space<hbm>> -> memref<8192xf32, #tpu.memory_space<hbm>>
        tpu.wait_dma2 semaphore(%run_scoped3A : memref<!tpu.dma_semaphore, #tpu.memory_space<semaphore_mem>>) src(%arg11 : memref<8192xf32, #tpu.memory_space<vmem_shared>>) dst(%dma_wait3A_20 : memref<8192xf32, #tpu.memory_space<hbm>>)
        tpu.yield
      }) : () -> ()
    } else {
    }
    return
  }
}

module attributes {stable_mosaic.version = 14 : i64} {
  func.func @_pass0_kernel(%arg0: i32, %arg1: memref<2304x256xf32, #tpu.memory_space<vmem>>, %arg2: memref<1024x256xf32, #tpu.memory_space<vmem>>, %arg3: memref<1x2304xi32, #tpu.memory_space<vmem>>, %arg4: memref<1x2304xf32, #tpu.memory_space<vmem>>, %arg5: memref<1x1xf32, #tpu.memory_space<vmem>>, %arg6: memref<256x2304xf32, #tpu.memory_space<vmem>>, %arg7: memref<1024x1xf32, #tpu.memory_space<vmem>>, %arg8: memref<1x2304xf32, #tpu.memory_space<vmem>>) attributes {dimension_semantics = [#tpu.dimension_semantics<arbitrary>], iteration_bounds = array<i64: 8>, scalar_prefetch = 0 : i64, scratch_operands = 1 : i64, tpu.core_type = #tpu.core_type<tc>, window_params = [{pipeline_mode = #tpu.pipeline_mode<synchronous>, transform_indices = @transform_0, window_bounds = array<i64: 2304, 256>}, {transform_indices = @transform_1, window_bounds = array<i64: 1024, 256>}, {pipeline_mode = #tpu.pipeline_mode<synchronous>, transform_indices = @transform_2, window_bounds = array<i64: 1, 2304>}, {pipeline_mode = #tpu.pipeline_mode<synchronous>, transform_indices = @transform_3, window_bounds = array<i64: 1, 2304>}, {pipeline_mode = #tpu.pipeline_mode<synchronous>, transform_indices = @transform_4, window_bounds = array<i64: 1, 1>}, {pipeline_mode = #tpu.pipeline_mode<synchronous>, transform_indices = @transform_5, window_bounds = array<i64: 256, 2304>}, {transform_indices = @transform_6, window_bounds = array<i64: 1024, 1>}]} {
    %get3A = arith.constant 0 : index
    %get3A_0 = arith.constant 0 : index
    %get3A_1 = vector.load %arg2[%get3A, %get3A_0] : memref<1024x256xf32, #tpu.memory_space<vmem>>, vector<1024x256xf32>
    %eq3A = arith.constant 0 : i32
    %eq3A_2 = arith.cmpi eq, %arg0, %eq3A : i32
    %convert_element_type3A = arith.extui %eq3A_2 : i1 to i32
    %cond3A = arith.constant 0 : i32
    %cond3A_3 = arith.cmpi ne, %convert_element_type3A, %cond3A : i32
    scf.if %cond3A_3 {
      %get3A_61 = arith.constant 0 : index
      %get3A_62 = arith.constant 0 : index
      %get3A_63 = vector.load %arg1[%get3A_61, %get3A_62] : memref<2304x256xf32, #tpu.memory_space<vmem>>, vector<2304x256xf32>
      %transpose3A = tpu.transpose %get3A_63, [1, 0] : vector<2304x256xf32> -> vector<256x2304xf32>
      %swap3A_64 = arith.constant 0 : index
      %swap3A_65 = arith.constant 0 : index
      %swap3A_66 = vector.load %arg6[%swap3A_64, %swap3A_65] : memref<256x2304xf32, #tpu.memory_space<vmem>>, vector<256x2304xf32>
      tpu.vector_store %arg6[%swap3A_64, %swap3A_65], %transpose3A {strides = array<i32>} : memref<256x2304xf32, #tpu.memory_space<vmem>>, vector<256x2304xf32>,
      %mul3A_67 = arith.mulf %get3A_63, %get3A_63 : vector<2304x256xf32>
      %reduce_sum3A_68 = vector.shape_cast %mul3A_67 : vector<2304x256xf32> to vector<1x2304x256xf32>
      %reduce_sum3A_69 = arith.constant dense<0.000000e+00> : vector<1xf32>
      %reduce_sum3A_70 = vector.multi_reduction <add>, %reduce_sum3A_68, %reduce_sum3A_69 [1, 2] : vector<1x2304x256xf32> to vector<1xf32>
      %reduce_sum3A_71 = vector.shape_cast %reduce_sum3A_70 : vector<1xf32> to vector<1x1x1xf32>
      %reduce_sum3A_72 = vector.extract %reduce_sum3A_71[0, 0, 0] : f32 from vector<1x1x1xf32>
      %broadcast_in_dim3A_73 = arith.constant 1.000000e+00 : f32
      %broadcast_in_dim3A_74 = vector.broadcast %broadcast_in_dim3A_73 : f32 to vector<1x1xf32>
      %mul3A_75 = vector.broadcast %reduce_sum3A_72 : f32 to vector<1x1xf32>
      %mul3A_76 = arith.mulf %mul3A_75, %broadcast_in_dim3A_74 : vector<1x1xf32>
      %swap3A_77 = arith.constant 0 : index
      %swap3A_78 = arith.constant 0 : index
      %swap3A_79 = vector.load %arg5[%swap3A_77, %swap3A_78] : memref<1x1xf32, #tpu.memory_space<vmem>>, vector<1x1xf32>
      tpu.vector_store %arg5[%swap3A_77, %swap3A_78], %mul3A_76 {strides = array<i32>} : memref<1x1xf32, #tpu.memory_space<vmem>>, vector<1x1xf32>,
      %broadcast_in_dim3A_80 = arith.constant 0xFF800000 : f32
      %broadcast_in_dim3A_81 = vector.broadcast %broadcast_in_dim3A_80 : f32 to vector<1x2304xf32>
      %swap3A_82 = arith.constant 0 : index
      %swap3A_83 = arith.constant 0 : index
      %swap3A_84 = vector.load %arg4[%swap3A_82, %swap3A_83] : memref<1x2304xf32, #tpu.memory_space<vmem>>, vector<1x2304xf32>
      tpu.vector_store %arg4[%swap3A_82, %swap3A_83], %broadcast_in_dim3A_81 {strides = array<i32>} : memref<1x2304xf32, #tpu.memory_space<vmem>>, vector<1x2304xf32>,
      %broadcast_in_dim3A_85 = arith.constant 0.000000e+00 : f32
      %broadcast_in_dim3A_86 = vector.broadcast %broadcast_in_dim3A_85 : f32 to vector<1x2304xf32>
      %swap3A_87 = arith.constant 0 : index
      %swap3A_88 = arith.constant 0 : index
      %swap3A_89 = vector.load %arg8[%swap3A_87, %swap3A_88] : memref<1x2304xf32, #tpu.memory_space<vmem>>, vector<1x2304xf32>
      tpu.vector_store %arg8[%swap3A_87, %swap3A_88], %broadcast_in_dim3A_86 {strides = array<i32>} : memref<1x2304xf32, #tpu.memory_space<vmem>>, vector<1x2304xf32>,
      %broadcast_in_dim3A_90 = arith.constant 0 : i32
      %broadcast_in_dim3A_91 = vector.broadcast %broadcast_in_dim3A_90 : i32 to vector<1x2304xi32>
      %swap3A_92 = arith.constant 0 : index
      %swap3A_93 = arith.constant 0 : index
      %swap3A_94 = vector.load %arg3[%swap3A_92, %swap3A_93] : memref<1x2304xi32, #tpu.memory_space<vmem>>, vector<1x2304xi32>
      tpu.vector_store %arg3[%swap3A_92, %swap3A_93], %broadcast_in_dim3A_91 {strides = array<i32>} : memref<1x2304xi32, #tpu.memory_space<vmem>>, vector<1x2304xi32>,
    } else {
    }
    %mul3A = arith.mulf %get3A_1, %get3A_1 : vector<1024x256xf32>
    %reduce_sum3A = arith.constant dense<0.000000e+00> : vector<1024xf32>
    %reduce_sum3A_4 = vector.multi_reduction <add>, %mul3A, %reduce_sum3A [1] : vector<1024x256xf32> to vector<1024xf32>
    %broadcast_in_dim3A = vector.shape_cast %reduce_sum3A_4 : vector<1024xf32> to vector<1024x1xf32>
    %mul3A_5 = arith.constant -5.000000e+00 : f32
    %mul3A_6 = vector.broadcast %mul3A_5 : f32 to vector<1024x1xf32>
    %mul3A_7 = arith.mulf %mul3A_6, %broadcast_in_dim3A : vector<1024x1xf32>
    %swap3A = arith.constant 0 : index
    %swap3A_8 = arith.constant 0 : index
    %swap3A_9 = vector.load %arg7[%swap3A, %swap3A_8] : memref<1024x1xf32, #tpu.memory_space<vmem>>, vector<1024x1xf32>
    tpu.vector_store %arg7[%swap3A, %swap3A_8], %mul3A_7 {strides = array<i32>} : memref<1024x1xf32, #tpu.memory_space<vmem>>, vector<1024x1xf32>,
    %get3A_10 = arith.constant 0 : index
    %get3A_11 = arith.constant 0 : index
    %get3A_12 = vector.load %arg6[%get3A_10, %get3A_11] : memref<256x2304xf32, #tpu.memory_space<vmem>>, vector<256x2304xf32>
    %dot_general3A = arith.constant dense<0.000000e+00> : vector<1024x2304xf32>
    %dot_general3A_13 = tpu.matmul %get3A_1, %get3A_12, %dot_general3A {dimension_numbers = #tpu.dot_dimension_numbers<[1], [0], [0], [1], [0, 0, 1, 1], [], []>, transpose_lhs_hint = false} : vector<1024x256xf32>, vector<256x2304xf32>, vector<1024x2304xf32> -> vector<1024x2304xf32>
    %mul3A_14 = arith.constant 1.000000e+01 : f32
    %mul3A_15 = vector.broadcast %mul3A_14 : f32 to vector<1024x2304xf32>
    %mul3A_16 = arith.mulf %mul3A_15, %dot_general3A_13 : vector<1024x2304xf32>
    %add3A = vector.broadcast %mul3A_7 : vector<1024x1xf32> to vector<1024x2304xf32>
    %add3A_17 = arith.addf %add3A, %mul3A_16 : vector<1024x2304xf32>
    %reduce_max3A = arith.constant dense<0xFF800000> : vector<2304xf32>
    %reduce_max3A_18 = vector.multi_reduction <maximumf>, %add3A_17, %reduce_max3A [0] : vector<1024x2304xf32> to vector<2304xf32>
    %broadcast_in_dim3A_19 = vector.shape_cast %reduce_max3A_18 : vector<2304xf32> to vector<1x2304xf32>
    %iota3A = tpu.iota {dimensions = array<i32: 0>} : vector<1024x2304xi32>
    %eq3A_20 = vector.broadcast %broadcast_in_dim3A_19 : vector<1x2304xf32> to vector<1024x2304xf32>
    %eq3A_21 = arith.cmpf oeq, %add3A_17, %eq3A_20 : vector<1024x2304xf32>
    %jit3A = arith.constant 8192 : i32
    %broadcast_in_dim3A_22 = vector.broadcast %jit3A : i32 to vector<1024x2304xi32>
    %select_n3A = arith.select %eq3A_21, %iota3A, %broadcast_in_dim3A_22 : vector<1024x2304xi1>, vector<1024x2304xi32>
    %reduce_min3A = arith.constant dense<2147483647> : vector<2304xi32>
    %reduce_min3A_23 = vector.multi_reduction <minsi>, %select_n3A, %reduce_min3A [0] : vector<1024x2304xi32> to vector<2304xi32>
    %broadcast_in_dim3A_24 = vector.shape_cast %reduce_min3A_23 : vector<2304xi32> to vector<1x2304xi32>
    %mul3A_25 = arith.constant 1024 : i32
    %mul3A_26 = arith.muli %arg0, %mul3A_25 : i32
    %add3A_27 = vector.broadcast %mul3A_26 : i32 to vector<1x2304xi32>
    %add3A_28 = arith.addi %broadcast_in_dim3A_24, %add3A_27 : vector<1x2304xi32>
    %get3A_29 = arith.constant 0 : index
    %get3A_30 = arith.constant 0 : index
    %get3A_31 = vector.load %arg4[%get3A_29, %get3A_30] : memref<1x2304xf32, #tpu.memory_space<vmem>>, vector<1x2304xf32>
    %max3A = arith.maximumf %get3A_31, %broadcast_in_dim3A_19 : vector<1x2304xf32>
    %get3A_32 = arith.constant 0 : index
    %get3A_33 = arith.constant 0 : index
    %get3A_34 = vector.load %arg8[%get3A_32, %get3A_33] : memref<1x2304xf32, #tpu.memory_space<vmem>>, vector<1x2304xf32>
    %sub3A = arith.subf %get3A_31, %max3A : vector<1x2304xf32>
    %exp3A = math.exp %sub3A : vector<1x2304xf32>
    %mul3A_35 = arith.mulf %get3A_34, %exp3A : vector<1x2304xf32>
    %sub3A_36 = vector.broadcast %max3A : vector<1x2304xf32> to vector<1024x2304xf32>
    %sub3A_37 = arith.subf %add3A_17, %sub3A_36 : vector<1024x2304xf32>
    %exp3A_38 = math.exp %sub3A_37 : vector<1024x2304xf32>
    %reduce_sum3A_39 = arith.constant dense<0.000000e+00> : vector<2304xf32>
    %reduce_sum3A_40 = vector.multi_reduction <add>, %exp3A_38, %reduce_sum3A_39 [0] : vector<1024x2304xf32> to vector<2304xf32>
    %broadcast_in_dim3A_41 = vector.shape_cast %reduce_sum3A_40 : vector<2304xf32> to vector<1x2304xf32>
    %add3A_42 = arith.addf %mul3A_35, %broadcast_in_dim3A_41 : vector<1x2304xf32>
    %swap3A_43 = arith.constant 0 : index
    %swap3A_44 = arith.constant 0 : index
    %swap3A_45 = vector.load %arg8[%swap3A_43, %swap3A_44] : memref<1x2304xf32, #tpu.memory_space<vmem>>, vector<1x2304xf32>
    tpu.vector_store %arg8[%swap3A_43, %swap3A_44], %add3A_42 {strides = array<i32>} : memref<1x2304xf32, #tpu.memory_space<vmem>>, vector<1x2304xf32>,
    %swap3A_46 = arith.constant 0 : index
    %swap3A_47 = arith.constant 0 : index
    %swap3A_48 = vector.load %arg4[%swap3A_46, %swap3A_47] : memref<1x2304xf32, #tpu.memory_space<vmem>>, vector<1x2304xf32>
    tpu.vector_store %arg4[%swap3A_46, %swap3A_47], %max3A {strides = array<i32>} : memref<1x2304xf32, #tpu.memory_space<vmem>>, vector<1x2304xf32>,
    %gt3A = arith.cmpf ogt, %broadcast_in_dim3A_19, %get3A_31 : vector<1x2304xf32>
    %get3A_49 = arith.constant 0 : index
    %get3A_50 = arith.constant 0 : index
    %get3A_51 = vector.load %arg3[%get3A_49, %get3A_50] : memref<1x2304xi32, #tpu.memory_space<vmem>>, vector<1x2304xi32>
    %select_n3A_52 = arith.select %gt3A, %add3A_28, %get3A_51 : vector<1x2304xi1>, vector<1x2304xi32>
    %swap3A_53 = arith.constant 0 : index
    %swap3A_54 = arith.constant 0 : index
    %swap3A_55 = vector.load %arg3[%swap3A_53, %swap3A_54] : memref<1x2304xi32, #tpu.memory_space<vmem>>, vector<1x2304xi32>
    tpu.vector_store %arg3[%swap3A_53, %swap3A_54], %select_n3A_52 {strides = array<i32>} : memref<1x2304xi32, #tpu.memory_space<vmem>>, vector<1x2304xi32>,
    %eq3A_56 = arith.constant 7 : i32
    %eq3A_57 = arith.cmpi eq, %arg0, %eq3A_56 : i32
    %convert_element_type3A_58 = arith.extui %eq3A_57 : i1 to i32
    %cond3A_59 = arith.constant 0 : i32
    %cond3A_60 = arith.cmpi ne, %convert_element_type3A_58, %cond3A_59 : i32
    scf.if %cond3A_60 {
      %get3A_61 = arith.constant 0 : index
      %get3A_62 = arith.constant 0 : index
      %get3A_63 = vector.load %arg4[%get3A_61, %get3A_62] : memref<1x2304xf32, #tpu.memory_space<vmem>>, vector<1x2304xf32>
      %reduce_sum3A_64 = vector.shape_cast %get3A_63 : vector<1x2304xf32> to vector<1x1x2304xf32>
      %reduce_sum3A_65 = arith.constant dense<0.000000e+00> : vector<1xf32>
      %reduce_sum3A_66 = vector.multi_reduction <add>, %reduce_sum3A_64, %reduce_sum3A_65 [1, 2] : vector<1x1x2304xf32> to vector<1xf32>
      %reduce_sum3A_67 = vector.shape_cast %reduce_sum3A_66 : vector<1xf32> to vector<1x1x1xf32>
      %reduce_sum3A_68 = vector.extract %reduce_sum3A_67[0, 0, 0] : f32 from vector<1x1x1xf32>
      %div3A = arith.constant -5.000000e+00 : f32
      %div3A_69 = arith.divf %reduce_sum3A_68, %div3A : f32
      %get3A_70 = arith.constant 0 : index
      %get3A_71 = arith.constant 0 : index
      %get3A_72 = vector.load %arg5[%get3A_70, %get3A_71] : memref<1x1xf32, #tpu.memory_space<vmem>>, vector<1x1xf32>
      %add3A_73 = vector.broadcast %div3A_69 : f32 to vector<1x1xf32>
      %add3A_74 = arith.addf %add3A_73, %get3A_72 : vector<1x1xf32>
      %div3A_75 = arith.constant 5.898240e+05 : f32
      %div3A_76 = vector.broadcast %div3A_75 : f32 to vector<1x1xf32>
      %div3A_77 = arith.divf %add3A_74, %div3A_76 : vector<1x1xf32>
      %swap3A_78 = arith.constant 0 : index
      %swap3A_79 = arith.constant 0 : index
      %swap3A_80 = vector.load %arg5[%swap3A_78, %swap3A_79] : memref<1x1xf32, #tpu.memory_space<vmem>>, vector<1x1xf32>
      tpu.vector_store %arg5[%swap3A_78, %swap3A_79], %div3A_77 {strides = array<i32>} : memref<1x1xf32, #tpu.memory_space<vmem>>, vector<1x1xf32>,
      %get3A_81 = arith.constant 0 : index
      %get3A_82 = arith.constant 0 : index
      %get3A_83 = vector.load %arg4[%get3A_81, %get3A_82] : memref<1x2304xf32, #tpu.memory_space<vmem>>, vector<1x2304xf32>
      %get3A_84 = arith.constant 0 : index
      %get3A_85 = arith.constant 0 : index
      %get3A_86 = vector.load %arg8[%get3A_84, %get3A_85] : memref<1x2304xf32, #tpu.memory_space<vmem>>, vector<1x2304xf32>
      %log3A = math.log %get3A_86 : vector<1x2304xf32>
      %add3A_87 = arith.addf %get3A_83, %log3A : vector<1x2304xf32>
      %swap3A_88 = arith.constant 0 : index
      %swap3A_89 = arith.constant 0 : index
      %swap3A_90 = vector.load %arg4[%swap3A_88, %swap3A_89] : memref<1x2304xf32, #tpu.memory_space<vmem>>, vector<1x2304xf32>
      tpu.vector_store %arg4[%swap3A_88, %swap3A_89], %add3A_87 {strides = array<i32>} : memref<1x2304xf32, #tpu.memory_space<vmem>>, vector<1x2304xf32>,
    } else {
    }
    return
  }
  func.func @transform_0(%arg0: i32) -> (i32, i32) {
    %c0_i32 = arith.constant 0 : i32
    %c0_i32_0 = arith.constant 0 : i32
    %c0_i32_1 = arith.constant 0 : i32
    return %c0_i32, %c0_i32_0 : i32, i32
  }
  func.func @transform_1(%arg0: i32) -> (i32, i32) {
    %c0_i32 = arith.constant 0 : i32
    %c0_i32_0 = arith.constant 0 : i32
    return %arg0, %c0_i32 : i32, i32
  }
  func.func @transform_2(%arg0: i32) -> (i32, i32) {
    %c0_i32 = arith.constant 0 : i32
    %c0_i32_0 = arith.constant 0 : i32
    %c0_i32_1 = arith.constant 0 : i32
    return %c0_i32, %c0_i32_0 : i32, i32
  }
  func.func @transform_3(%arg0: i32) -> (i32, i32) {
    %c0_i32 = arith.constant 0 : i32
    %c0_i32_0 = arith.constant 0 : i32
    %c0_i32_1 = arith.constant 0 : i32
    return %c0_i32, %c0_i32_0 : i32, i32
  }
  func.func @transform_4(%arg0: i32) -> (i32, i32) {
    %c0_i32 = arith.constant 0 : i32
    %c0_i32_0 = arith.constant 0 : i32
    %c0_i32_1 = arith.constant 0 : i32
    return %c0_i32, %c0_i32_0 : i32, i32
  }
  func.func @transform_5(%arg0: i32) -> (i32, i32) {
    %c0_i32 = arith.constant 0 : i32
    %c0_i32_0 = arith.constant 0 : i32
    %c0_i32_1 = arith.constant 0 : i32
    return %c0_i32, %c0_i32_0 : i32, i32
  }
  func.func @transform_6(%arg0: i32) -> (i32, i32) {
    %c0_i32 = arith.constant 0 : i32
    %c0_i32_0 = arith.constant 0 : i32
    return %arg0, %c0_i32 : i32, i32
  }
}

module attributes {stable_mosaic.version = 14 : i64} {
  func.func @_pass1_kernel(%arg0: i32, %arg1: memref<256x2304xf32, #tpu.memory_space<vmem>>, %arg2: memref<1024x256xf32, #tpu.memory_space<vmem>>, %arg3: memref<1024x1xf32, #tpu.memory_space<vmem>>, %arg4: memref<1x2304xf32, #tpu.memory_space<vmem>>, %arg5: memref<2x8192xf32, #tpu.memory_space<vmem>>, %arg6: memref<1x1xf32, #tpu.memory_space<vmem>>, %arg7: memref<1x1xf32, #tpu.memory_space<vmem>>) attributes {dimension_semantics = [#tpu.dimension_semantics<arbitrary>], iteration_bounds = array<i64: 8>, scalar_prefetch = 0 : i64, scratch_operands = 0 : i64, tpu.core_type = #tpu.core_type<tc>, window_params = [{pipeline_mode = #tpu.pipeline_mode<synchronous>, transform_indices = @transform_0, window_bounds = array<i64: 256, 2304>}, {transform_indices = @transform_1, window_bounds = array<i64: 1024, 256>}, {transform_indices = @transform_2, window_bounds = array<i64: 1024, 1>}, {pipeline_mode = #tpu.pipeline_mode<synchronous>, transform_indices = @transform_3, window_bounds = array<i64: 1, 2304>}, {pipeline_mode = #tpu.pipeline_mode<synchronous>, transform_indices = @transform_4, window_bounds = array<i64: 2, 8192>}, {pipeline_mode = #tpu.pipeline_mode<synchronous>, transform_indices = @transform_5, window_bounds = array<i64: 1, 1>}, {pipeline_mode = #tpu.pipeline_mode<synchronous>, transform_indices = @transform_6, window_bounds = array<i64: 1, 1>}]} {
    %get3A = arith.constant 0 : index
    %get3A_0 = arith.constant 0 : index
    %get3A_1 = vector.load %arg2[%get3A, %get3A_0] : memref<1024x256xf32, #tpu.memory_space<vmem>>, vector<1024x256xf32>
    %eq3A = arith.constant 0 : i32
    %eq3A_2 = arith.cmpi eq, %arg0, %eq3A : i32
    %convert_element_type3A = arith.extui %eq3A_2 : i1 to i32
    %cond3A = arith.constant 0 : i32
    %cond3A_3 = arith.cmpi ne, %convert_element_type3A, %cond3A : i32
    scf.if %cond3A_3 {
      %broadcast_in_dim3A_46 = arith.constant 0.000000e+00 : f32
      %broadcast_in_dim3A_47 = vector.broadcast %broadcast_in_dim3A_46 : f32 to vector<1x1xf32>
      %swap3A_48 = arith.constant 0 : index
      %swap3A_49 = arith.constant 0 : index
      %swap3A_50 = vector.load %arg7[%swap3A_48, %swap3A_49] : memref<1x1xf32, #tpu.memory_space<vmem>>, vector<1x1xf32>
      tpu.vector_store %arg7[%swap3A_48, %swap3A_49], %broadcast_in_dim3A_47 {strides = array<i32>} : memref<1x1xf32, #tpu.memory_space<vmem>>, vector<1x1xf32>,
    } else {
    }
    %get3A_4 = arith.constant 0 : index
    %get3A_5 = arith.constant 0 : index
    %get3A_6 = vector.load %arg1[%get3A_4, %get3A_5] : memref<256x2304xf32, #tpu.memory_space<vmem>>, vector<256x2304xf32>
    %dot_general3A = arith.constant dense<0.000000e+00> : vector<1024x2304xf32>
    %dot_general3A_7 = tpu.matmul %get3A_1, %get3A_6, %dot_general3A {dimension_numbers = #tpu.dot_dimension_numbers<[1], [0], [0], [1], [0, 0, 1, 1], [], []>, transpose_lhs_hint = false} : vector<1024x256xf32>, vector<256x2304xf32>, vector<1024x2304xf32> -> vector<1024x2304xf32>
    %get3A_8 = arith.constant 0 : index
    %get3A_9 = arith.constant 0 : index
    %get3A_10 = vector.load %arg3[%get3A_8, %get3A_9] : memref<1024x1xf32, #tpu.memory_space<vmem>>, vector<1024x1xf32>
    %mul3A = arith.constant 1.000000e+01 : f32
    %mul3A_11 = vector.broadcast %mul3A : f32 to vector<1024x2304xf32>
    %mul3A_12 = arith.mulf %mul3A_11, %dot_general3A_7 : vector<1024x2304xf32>
    %add3A = vector.broadcast %get3A_10 : vector<1024x1xf32> to vector<1024x2304xf32>
    %add3A_13 = arith.addf %add3A, %mul3A_12 : vector<1024x2304xf32>
    %get3A_14 = arith.constant 0 : index
    %get3A_15 = arith.constant 0 : index
    %get3A_16 = vector.load %arg4[%get3A_14, %get3A_15] : memref<1x2304xf32, #tpu.memory_space<vmem>>, vector<1x2304xf32>
    %sub3A = vector.broadcast %get3A_16 : vector<1x2304xf32> to vector<1024x2304xf32>
    %sub3A_17 = arith.subf %add3A_13, %sub3A : vector<1024x2304xf32>
    %exp3A = math.exp %sub3A_17 : vector<1024x2304xf32>
    %reduce_sum3A = arith.constant dense<0.000000e+00> : vector<1024xf32>
    %reduce_sum3A_18 = vector.multi_reduction <add>, %exp3A, %reduce_sum3A [1] : vector<1024x2304xf32> to vector<1024xf32>
    %broadcast_in_dim3A = vector.shape_cast %reduce_sum3A_18 : vector<1024xf32> to vector<1024x1xf32>
    %div3A = arith.constant 2.304000e+03 : f32
    %div3A_19 = vector.broadcast %div3A : f32 to vector<1024x1xf32>
    %div3A_20 = arith.divf %broadcast_in_dim3A, %div3A_19 : vector<1024x1xf32>
    %get3A_21 = arith.constant 0 : index
    %get3A_22 = arith.constant 0 : index
    %get3A_23 = vector.load %arg7[%get3A_21, %get3A_22] : memref<1x1xf32, #tpu.memory_space<vmem>>, vector<1x1xf32>
    %add3A_24 = arith.constant 1.000000e-10 : f32
    %add3A_25 = vector.broadcast %add3A_24 : f32 to vector<1024x1xf32>
    %add3A_26 = arith.addf %div3A_20, %add3A_25 : vector<1024x1xf32>
    %log3A = math.log %add3A_26 : vector<1024x1xf32>
    %log3A_27 = arith.constant 2.000000e+00 : f32
    %log3A_28 = math.log %log3A_27 : f32
    %div3A_29 = vector.broadcast %log3A_28 : f32 to vector<1024x1xf32>
    %div3A_30 = arith.divf %log3A, %div3A_29 : vector<1024x1xf32>
    %mul3A_31 = arith.mulf %div3A_20, %div3A_30 : vector<1024x1xf32>
    %reduce_sum3A_32 = vector.shape_cast %mul3A_31 : vector<1024x1xf32> to vector<1x1024x1xf32>
    %reduce_sum3A_33 = arith.constant dense<0.000000e+00> : vector<1xf32>
    %reduce_sum3A_34 = vector.multi_reduction <add>, %reduce_sum3A_32, %reduce_sum3A_33 [1, 2] : vector<1x1024x1xf32> to vector<1xf32>
    %reduce_sum3A_35 = vector.shape_cast %reduce_sum3A_34 : vector<1xf32> to vector<1x1x1xf32>
    %reduce_sum3A_36 = vector.extract %reduce_sum3A_35[0, 0, 0] : f32 from vector<1x1x1xf32>
    %sub3A_37 = vector.broadcast %reduce_sum3A_36 : f32 to vector<1x1xf32>
    %sub3A_38 = arith.subf %get3A_23, %sub3A_37 : vector<1x1xf32>
    %swap3A = arith.constant 0 : index
    %swap3A_39 = arith.constant 0 : index
    %swap3A_40 = vector.load %arg7[%swap3A, %swap3A_39] : memref<1x1xf32, #tpu.memory_space<vmem>>, vector<1x1xf32>
    tpu.vector_store %arg7[%swap3A, %swap3A_39], %sub3A_38 {strides = array<i32>} : memref<1x1xf32, #tpu.memory_space<vmem>>, vector<1x1xf32>,
    %eq3A_41 = arith.constant 7 : i32
    %eq3A_42 = arith.cmpi eq, %arg0, %eq3A_41 : i32
    %convert_element_type3A_43 = arith.extui %eq3A_42 : i1 to i32
    %cond3A_44 = arith.constant 0 : i32
    %cond3A_45 = arith.cmpi ne, %convert_element_type3A_43, %cond3A_44 : i32
    scf.if %cond3A_45 {
      %get3A_46 = arith.constant 0 : index
      %get3A_47 = arith.constant 0 : index
      %get3A_48 = vector.load %arg5[%get3A_46, %get3A_47] : memref<2x8192xf32, #tpu.memory_space<vmem>>, vector<1x8192xf32>
      %get3A_49 = arith.constant 1 : index
      %get3A_50 = arith.constant 0 : index
      %get3A_51 = vector.load %arg5[%get3A_49, %get3A_50] : memref<2x8192xf32, #tpu.memory_space<vmem>>, vector<1x8192xf32>
      %add3A_52 = arith.addf %get3A_48, %get3A_51 : vector<1x8192xf32>
      %div3A_53 = arith.constant 2.304000e+03 : f32
      %div3A_54 = vector.broadcast %div3A_53 : f32 to vector<1x8192xf32>
      %div3A_55 = arith.divf %add3A_52, %div3A_54 : vector<1x8192xf32>
      %add3A_56 = arith.constant 1.000000e-10 : f32
      %add3A_57 = vector.broadcast %add3A_56 : f32 to vector<1x8192xf32>
      %add3A_58 = arith.addf %div3A_55, %add3A_57 : vector<1x8192xf32>
      %log3A_59 = math.log %add3A_58 : vector<1x8192xf32>
      %log3A_60 = arith.constant 2.000000e+00 : f32
      %log3A_61 = math.log %log3A_60 : f32
      %div3A_62 = vector.broadcast %log3A_61 : f32 to vector<1x8192xf32>
      %div3A_63 = arith.divf %log3A_59, %div3A_62 : vector<1x8192xf32>
      %mul3A_64 = arith.mulf %div3A_55, %div3A_63 : vector<1x8192xf32>
      %reduce_sum3A_65 = vector.shape_cast %mul3A_64 : vector<1x8192xf32> to vector<1x1x8192xf32>
      %reduce_sum3A_66 = arith.constant dense<0.000000e+00> : vector<1xf32>
      %reduce_sum3A_67 = vector.multi_reduction <add>, %reduce_sum3A_65, %reduce_sum3A_66 [1, 2] : vector<1x1x8192xf32> to vector<1xf32>
      %reduce_sum3A_68 = vector.shape_cast %reduce_sum3A_67 : vector<1xf32> to vector<1x1x1xf32>
      %reduce_sum3A_69 = vector.extract %reduce_sum3A_68[0, 0, 0] : f32 from vector<1x1x1xf32>
      %neg3A = arith.constant 0.000000e+00 : f32
      %neg3A_70 = arith.subf %neg3A, %reduce_sum3A_69 : f32
      %broadcast_in_dim3A_71 = arith.constant 1.000000e+00 : f32
      %broadcast_in_dim3A_72 = vector.broadcast %broadcast_in_dim3A_71 : f32 to vector<1x1xf32>
      %mul3A_73 = vector.broadcast %neg3A_70 : f32 to vector<1x1xf32>
      %mul3A_74 = arith.mulf %mul3A_73, %broadcast_in_dim3A_72 : vector<1x1xf32>
      %swap3A_75 = arith.constant 0 : index
      %swap3A_76 = arith.constant 0 : index
      %swap3A_77 = vector.load %arg6[%swap3A_75, %swap3A_76] : memref<1x1xf32, #tpu.memory_space<vmem>>, vector<1x1xf32>
      tpu.vector_store %arg6[%swap3A_75, %swap3A_76], %mul3A_74 {strides = array<i32>} : memref<1x1xf32, #tpu.memory_space<vmem>>, vector<1x1xf32>,
    } else {
    }
    return
  }
  func.func @transform_0(%arg0: i32) -> (i32, i32) {
    %c0_i32 = arith.constant 0 : i32
    %c0_i32_0 = arith.constant 0 : i32
    %c0_i32_1 = arith.constant 0 : i32
    return %c0_i32, %c0_i32_0 : i32, i32
  }
  func.func @transform_1(%arg0: i32) -> (i32, i32) {
    %c0_i32 = arith.constant 0 : i32
    %c0_i32_0 = arith.constant 0 : i32
    return %arg0, %c0_i32 : i32, i32
  }
  func.func @transform_2(%arg0: i32) -> (i32, i32) {
    %c0_i32 = arith.constant 0 : i32
    %c0_i32_0 = arith.constant 0 : i32
    return %arg0, %c0_i32 : i32, i32
  }
  func.func @transform_3(%arg0: i32) -> (i32, i32) {
    %c0_i32 = arith.constant 0 : i32
    %c0_i32_0 = arith.constant 0 : i32
    %c0_i32_1 = arith.constant 0 : i32
    return %c0_i32, %c0_i32_0 : i32, i32
  }
  func.func @transform_4(%arg0: i32) -> (i32, i32) {
    %c0_i32 = arith.constant 0 : i32
    %c0_i32_0 = arith.constant 0 : i32
    %c0_i32_1 = arith.constant 0 : i32
    return %c0_i32, %c0_i32_0 : i32, i32
  }
  func.func @transform_5(%arg0: i32) -> (i32, i32) {
    %c0_i32 = arith.constant 0 : i32
    %c0_i32_0 = arith.constant 0 : i32
    %c0_i32_1 = arith.constant 0 : i32
    return %c0_i32, %c0_i32_0 : i32, i32
  }
  func.func @transform_6(%arg0: i32) -> (i32, i32) {
    %c0_i32 = arith.constant 0 : i32
    %c0_i32_0 = arith.constant 0 : i32
    %c0_i32_1 = arith.constant 0 : i32
    return %c0_i32, %c0_i32_0 : i32, i32
  }
}

</mosaic_0001>

<sc_bundles>
// kernel: kernel.5.cloned.1.call-start
scs
__scs_entry_jumppad:
0x0: {  	(pc) =	sbr.rel $0x88, $3  }
0x1: {  	(tag) =	ssettag $0x0;
	lr =	simm.s32 $0x1  }
0x2: {  	[smem:$0x3F9F] =	sst lr;
	_ =	strace $0xD0000000  }
0x3: {  	_ = 	snop  }
0x4: {  	_ = 	snop  }
0x5: {  	_ = 	snop  }
0x6: {  	_ = 	snop  }
0x7: {  	_ = 	snop  }
__scs_overlays_trampoline_lowered:
0x8: {  	[smem:$0x3FAE] =	sst s0  }
0x9: {  	[smem:$0x3FAF] =	sst s1  }
0xa: {  	[smem:$0x3FB0] =	sst s2  }
0xb: {  	[smem:$0x3FB1] =	sst s3  }
0xc: {  	[smem:$0x3FB2] =	sst s4  }
0xd: {  	[smem:$0x3FB3] =	sst s5  }
0xe: {  	[smem:$0x3FB4] =	sst s6  }
0xf: {  	[smem:$0x3FB5] =	sst s7  }
0x10: {  	[smem:$0x3FB6] =	sst s8  }
0x11: {  	[smem:$0x3FB7] =	sst s9;
	s0 =	simm.s32 @!p0 $0x0  }
0x12: {  	s1 =	sld [smem:$0x3F9D];
	s0 =	simm.s32 @p0 $0x1  }
0x13: {  	[smem:$0x3FB8] =	sst s0;
	s0 =	simm.s32 @!p1 $0x0  }
0x14: {  	s2 =	sld [smem:$0x3F9C];
	s0 =	simm.s32 @p1 $0x1  }
0x15: {  	[smem:$0x3FB9] =	sst s0;
	s0 =	simm.s32 @!p2 $0x0  }
0x16: {  	s3 =	sld [smem:$0x3FDB];
	s0 =	simm.s32 @p2 $0x1  }
0x17: {  	s4 =	simm.s32 $0x1BF5;
	[smem:$0x3FBB] =	sst s0  }
0x18: {  	s0 =	sld [smem:$0x3F9E];
	_ =	swait.ge [sflag:s4], $0x0  }
0x19: {  	s7 =	sld [smem:$0x3F9F]  }
0x1a: {  	s8 =	sadd.s32 $0xFFFFE003, lr  }
0x1b: {  	s9 =	sadd.s32 $0xFFFFFEF7, lr;
	s5 =	simm.s32 $0xFFFFFFFF;
	p2 =	slt.u32 s8, $0xFFFFF086  }
0x1c: {  	p1 =	slt.u32 s9, $0xF7A;
	s5 =	simm.s32 @!p2 $0x0  }
0x1d: {  	s5 =	simm.s32 @p1 $0x1;
	p0 =	seq.s32 s7, s2  }
0x1e: {  	s7 =	smul.u32 @!p0 $0xF7A, s2;
	p2 =	seq.s32 @!p0 s5, $0x0  }
0x1f: {  	s9 =	smul.u32 $0xF7A, s1;
	s8 =	simm.s32 @!p0 $0x1BF5;
	p2 =	por !p2, p0  }
0x20: {  	[sflag:s8] =	ssyncset.s32 @!p0 $0xFFFFF086;
	s6 =	sadd.s32 @!p0 s3, s7;
	s7 =	simm.s32 @!p0 $0x108  }
0x21: {  	s3 =	sadd.s32 s3, s9;
	s6 =	sadd.s32 @!p0 $0x88, s6;
	s7 =	simm.s32 @p2 $0x1082  }
0x22: {  	[simem:s7], [sflag:s8] =	dma.local @!p0 [hbm:s6], $0xF7A  }
0x23: {  	s9 =	sor.u32 $0xD0000000, s2;
	s6 =	simm.s32 $0x108;
	_ =	swait.ge @!p0 [sflag:s8], $0x0  }
0x24: {  	s3 =	sadd.s32 $0x88, s3;
	s6 =	simm.s32 @!p1 $0x1082;
	[sflag:s4] =	ssyncset.s32 $0xFFFFF086  }
0x25: {  	[simem:s6], [sflag:s4] =	dma.local [hbm:s3], $0xF7A  }
0x26: {  	[smem:$0x3F9F] =	sst s1;
	(tag) =	ssettag s2;
	_ =	strace s9  }
0x27: {  	s1 =	sld [smem:$0x3FAF]  }
0x28: {  	s2 =	sld [smem:$0x3FB0]  }
0x29: {  	s4 =	sld [smem:$0x3FB2]  }
0x2a: {  	p0 =	seq.s32 s5, $0x0;
	s5 =	sld [smem:$0x3FB3]  }
0x2b: {  	s6 =	sld [smem:$0x3FB4]  }
0x2c: {  	s7 =	sld [smem:$0x3FB5]  }
0x2d: {  	s3 =	simm.s32 $0x108;
	s8 =	sld [smem:$0x3FB6]  }
0x2e: {  	s3 =	simm.s32 @!p0 $0x1082;
	s9 =	sld [smem:$0x3FB7]  }
0x2f: {  	lr =	sadd.s32 s0, s3;
	s0 =	sld [smem:$0x3FAE]  }
0x30: {  	s3 =	sld [smem:$0x3FB1]  }
0x31: {  	[smem:$0x3FBA] =	sst s10  }
0x32: {  	s10 =	sld [smem:$0x3FB8];
	_ =	sdelay $0x3  }
0x33: {  	p0 =	seq.s32 s10, $0x1;
	s10 =	sld [smem:$0x3FBA];
	_ =	sdelay $0x3  }
0x34: {  	[smem:$0x3FBA] =	sst s10  }
0x35: {  	s10 =	sld [smem:$0x3FB9];
	_ =	sdelay $0x3  }
0x36: {  	p1 =	seq.s32 s10, $0x1;
	s10 =	sld [smem:$0x3FBA];
	_ =	sdelay $0x3  }
0x37: {  	[smem:$0x3FBA] =	sst s10  }
0x38: {  	s10 =	sld [smem:$0x3FBB]  }
0x39: {  	_ = 	snop;
	(pc) =	sbr.ind lr, $3  }
0x3a: {  	_ = 	snop  }
0x3b: {  	_ = 	snop  }
0x3c: {  	p2 =	seq.s32 s10, $0x1;
	s10 =	sld [smem:$0x3FBA]  }
0x3d: {  	_ =	shalt  }
0x3e: {  	_ =	shalt  }
0x3f: {  	_ =	shalt  }
0x40: {  	_ =	shalt  }
0x41: {  	_ =	shalt  }
0x42: {  	_ =	shalt  }
0x43: {  	_ =	shalt  }
0x44: {  	_ =	shalt  }
0x45: {  	_ =	shalt  }
0x46: {  	_ =	shalt  }
0x47: {  	_ =	shalt  }
0x48: {  	_ =	shalt  }
0x49: {  	_ =	shalt  }
0x4a: {  	_ =	shalt  }
0x4b: {  	_ =	shalt  }
0x4c: {  	_ =	shalt  }
0x4d: {  	_ =	shalt  }
0x4e: {  	_ =	shalt  }
0x4f: {  	_ =	shalt  }
0x50: {  	_ =	shalt  }
0x51: {  	_ =	shalt  }
0x52: {  	_ =	shalt  }
0x53: {  	_ =	shalt  }
0x54: {  	_ =	shalt  }
0x55: {  	_ =	shalt  }
0x56: {  	_ =	shalt  }
0x57: {  	_ =	shalt  }
0x58: {  	_ =	shalt  }
0x59: {  	_ =	shalt  }
0x5a: {  	_ =	shalt  }
0x5b: {  	_ =	shalt  }
0x5c: {  	_ =	shalt  }
0x5d: {  	_ =	shalt  }
0x5e: {  	_ =	shalt  }
0x5f: {  	_ =	shalt  }
0x60: {  	_ =	shalt  }
0x61: {  	_ =	shalt  }
0x62: {  	_ =	shalt  }
0x63: {  	_ =	shalt  }
0x64: {  	_ =	shalt  }
0x65: {  	_ =	shalt  }
0x66: {  	_ =	shalt  }
0x67: {  	_ =	shalt  }
0x68: {  	_ =	shalt  }
0x69: {  	_ =	shalt  }
0x6a: {  	_ =	shalt  }
0x6b: {  	_ =	shalt  }
0x6c: {  	_ =	shalt  }
0x6d: {  	_ =	shalt  }
0x6e: {  	_ =	shalt  }
0x6f: {  	_ =	shalt  }
0x70: {  	_ =	shalt  }
0x71: {  	_ =	shalt  }
0x72: {  	_ =	shalt  }
0x73: {  	_ =	shalt  }
0x74: {  	_ =	shalt  }
0x75: {  	_ =	shalt  }
0x76: {  	_ =	shalt  }
0x77: {  	_ =	shalt  }
0x78: {  	_ =	shalt  }
0x79: {  	_ =	shalt  }
0x7a: {  	_ =	shalt  }
0x7b: {  	_ =	shalt  }
0x7c: {  	_ =	shalt  }
0x7d: {  	_ =	shalt  }
0x7e: {  	_ =	shalt  }
0x7f: {  	_ =	shalt  }
0x80: {  	_ =	shalt  }
0x81: {  	_ =	shalt  }
0x82: {  	_ =	shalt  }
0x83: {  	_ =	shalt  }
0x84: {  	_ =	shalt  }
0x85: {  	_ =	shalt  }
0x86: {  	_ =	shalt  }
0x87: {  	_ =	shalt  }
.Lfunc_end0:
.L_simem_size_0:
called_computation_lowered:
.L_overlay_start_0:
0x88: {  	s2 =	sld [smem:$0x3FD9]  }
0x89: {  	s3 =	sld [smem:$0x3FFE];
	_ =	sdelay $0x1  }
0x8a: {  	s1 =	srdreg.scid  }
0x8b: {  	s0 =	sand.u32 $0x1, s1  }
0x8c: {  	s14 =	sshll.u32 s0, $0xA;
	s2 =	sadd.s32 s3, s2  }
0x8d: {  	s2 =	sadd.s32 s2, s14  }
0x8e: {  	[smem:$0x3FC6] =	sst s2  }
0x8f: {  	_ = 	snop  }
0x90: {  	s2 =	sld [smem:$0x3FD0];
	_ =	sdelay $0x2  }
0x91: {  	s4 =	simm.s32 $0xA;
	s5 =	simm.s32 $0x10;
	s15 =	sld [smem:$0x3FC8]  }
0x92: {  	[smem:s5], [sflag:s4] =	dma.local [hbm:s2], $0x1  }
0x93: {  	_ =	swait.eq [sflag:s4], $0x1  }
0x94: {  	[sflag:s4] =	ssyncset.done $0x0  }
0x95: {  	[sflag:s4] =	ssyncadd.s32 $0xFFFFFFFF  }
0x96: {  	s16 =	sld [smem:$0x10];
	(tm) =	ssettm $0x1  }
0x97: {  	s17 =	sld [smem:$0x3FFB];
	_ =	sdelay $0x3  }
0x98: {  	_ =	strace s17  }
0x99: {  	s4 =	sld [smem:$0x3FFC];
	_ =	sdelay $0x3  }
0x9a: {  	_ =	strace s4  }
0x9b: {  	s4 =	sld [smem:$0x3FFD];
	_ =	sdelay $0x3  }
0x9c: {  	_ =	strace s4  }
0x9d: {  	_ =	strace $0x8FFFFFFF  }
0x9e: {  	s18 =	sld [smem:$0x3FDB];
	_ =	sdelay $0x1  }
0x9f: {  	s19 =	simm.s32 $_scs_section_size  }
0xa0: {  	s6 =	simm.s32 $_size__tile_overlayer_lowered;
	s7 =	simm.s32 $_tile_overlayer_lowered  }
0xa1: {  	s22 =	simm.s32 $0x1BFF;
	s21 =	sshll.u32 s7, $0x1;
	s4 =	sadd.s32 s19, s18  }
0xa2: {  	s8 =	simm.s32 $0x0;
	s20 =	sshll.u32 s6, $0x1;
	s6 =	sadd.s32 s21, s4  }
0xa3: {  	[timem:s8], [sflag:s22] =	dma.local [hbm:s6], s20  }
0xa4: {  	_ =	swait.ge [sflag:s22], s20  }
0xa5: {  	s5 =	ssub.s32 $0x0, s20;
	[sflag:s22] =	ssyncset.done $0x0  }
0xa6: {  	[sflag:s22] =	ssyncadd.s32 s5;
	_ =	sdelay $0x1  }
0xa7: {  	s23 =	simm.s32 $0x1B8B  }
0xa8: {  	_ =	swait.ge [sflag:s23], $0x1  }
0xa9: {  	[sflag:s23] =	ssyncset.done $0x0  }
0xaa: {  	s25 =	simm.s32 $0x1B8E;
	s24 =	sld [smem:$0x3FFE];
	[sflag:s23] =	ssyncadd.s32 $0xFFFFFFFF  }
0xab: {  	s26 =	simm.s32 $execute0_lowered;
	[smem:$0x3FD2] =	sst s25  }
0xac: {  	s6 =	sshll.u32 s26, $0x1;
	_ =	strace $0x80000046;
	[dreg:$0x1] =	wrdreg $0xFFFFFFFF  }
0xad: {  	s28 =	simm.s32 $_size_execute0_lowered;
	s4 =	sadd.s32 s4, s6;
	[dreg:$0x0] =	wrdreg $0x0  }
0xae: {  	s6 =	sshll.u32 s28, $0x1;
	[dreg:$0x2] =	wrdreg s4  }
0xaf: {  	[dreg:$0x3] =	wrdreg s6  }
0xb0: {  	[dreg:$0x4] =	wrdreg $0xC0  }
0xb1: {  	_ =	task [dreg:s8], $0x5FFFF  }
0xb2: {  	[dreg:$0x1] =	wrdreg $0xFFFFFFFF  }
0xb3: {  	[dreg:$0x0] =	wrdreg $0x60  }
0xb4: {  	[dreg:$0x2] =	wrdreg s15  }
0xb5: {  	[dreg:$0x3] =	wrdreg s24  }
0xb6: {  	[dreg:$0x4] =	wrdreg s16  }
0xb7: {  	[dreg:$0x5] =	wrdreg $0x49000  }
0xb8: {  	[dreg:$0x6] =	wrdreg $0x9  }
0xb9: {  	_ =	task.clear_ibuf [dreg:s8], $0x7FFFF;
	_ =	strace $0x90000046  }
0xba: {  	s29 =	simm.s32 $0x9;
	_ =	strace $0x80000048  }
0xbb: {  	_ =	swait.ge [sflag:s29], $0x1  }
0xbc: {  	[sflag:s29] =	ssyncadd.s32 $0xFFFFFFFF  }
0xbd: {  	_ =	strace $0x90000048  }
0xbe: {  	_ =	sfence  }
0xbf: {  	s30 =	sld [smem:$0x0];
	_ =	sdelay $0x2  }
0xc0: {  	s31 =	sshll.u32 s1, $0xD;
	s1 =	sshrl.u32 s1, $0x2  }
0xc1: {  	s3 =	sand.u32 $0x4000, s31;
	s1 =	sadd.s32 s1, s30  }
0xc2: {  	s0 =	sor.u32 s3, s0;
	s1 =	sshll.u32 s1, $0x11  }
0xc3: {  	s0 =	sor.u32 s1, s0  }
0xc4: {  	s0 =	sadd.s32 $0x8F2B, s0  }
0xc5: {  	[sflag:s0] =	ssyncadd.remote.s32 $0x1  }
0xc6: {  	_ =	sfence.sel $0xFFFF  }
0xc7: {  	[dreg:$0x0] =	wrdreg $0xFFFFFFFF;
	(pc) =	sbr.abs _section_cstart, $3  }
0xc8: {  	[dreg:$0x1] =	wrdreg $0xFFFFFFFF  }
0xc9: {  	_ =	task.clear_ibuf [dreg:s8], $0x2FFFF;
	_ =	strace $0x9FFFFFFF  }
0xca: {  	(tm) =	ssettm $0x7FFFFFFF  }
0xcb: {  	_ =	shalt  }
tec
execute0_lowered:
.L_overlay_start_1:
0x0: {  	(tag) =	ssettag $0x1  }
0x1: {  	s0 =	rddreg [dreg:$0x0]  }
0x2: {  	s5 =	rddreg [dreg:$0x1]  }
0x3: {  	s7 =	rddreg [dreg:$0x2]  }
0x4: {  	s1 =	srdreg.scid;
	s2 =	rddreg [dreg:$0x3]  }
0x5: {  	s9 =	stileid.u32;
	s3 =	simm.s32 $0x0;
	s13 =	simm.s32 $0x80  }
0x6: {  	s14 =	simm.s32 $0x880;
	s15 =	simm.s32 $0x1080;
	s16 =	simm.s32 $0x1880  }
0x7: {  	s17 =	simm.s32 $0x2080;
	s18 =	simm.s32 $0x2880;
	s19 =	simm.s32 $0x3080  }
0x8: {  	s20 =	simm.s32 $0x3880;
	s21 =	simm.s32 $0x4080;
	s22 =	simm.s32 $0x1  }
0x9: {  	s23 =	simm.s32 $0x48;
	s6 =	sand.u32 $0x1, s1;
	s1 =	rddreg [dreg:$0x4]  }
0xa: {  	[smem:$0x7FF] =	sst s3;
	p0 =	sne.s32 s9, $0x0;
	s8 =	sshll.u32 s6, $0x4  }
0xb: {  	_ =	strace $0x80000047;
	s6 =	ssub.s32 $0x2, s6;
	s10 =	sor.u32 s9, s8  }
0xc: {  	s8 =	sadd.s32 s8, s5;
	s31 =	sshrl.u32 s6, $0x1;
	s4 =	smul.u32 $0x9, s10  }
0xd: {  	s10 =	smul.u32 $0x900, s10;
	s12 =	ssub.s32 s6, s31;
	s8 =	sadd.s32 $0x2000, s8  }
0xe: {  	v2 =	vlaneseq.u32;
	s9 =	smax.u32 s12, $0x1;
	s12 =	simm.s32 $0x4880;
	s11 =	sadd.s32 s4, s5  }
0xf: {  	vm0 =	vmmov $0xffff;
	v1 =	vshrl.u32 v2, $0x3;
	s4 =	sadd.s32 $0x1A00, s5;
	s7 =	sadd.s32 s7, s10;
	s10 =	sshrl.u32 @!p0 s2, $0x3  }
0x10: {  	v0 =	vand.u32 $0x7, v2;
	v2 =	vor.u32 $0x8, v2;
	v1 =	vmul.u32 $0x8, v1;
	s5 =	sadd.s32 $0x1800, s11;
	s6 =	sadd.s32 $0x1E00, s11;
	s11 =	simm.s32 $0x2  }
.LBB2_1:
0x11: {  	s25 =	simm.s32 @!p0 $0x1C02;
	s24 =	simm.s32 @!p0 $0x2  }
0x12: {  	[spmem:s10], [sflag:s25] =	dma.local @!p0 [hbm:s4], $0x400  }
0x13: {  	_ =	swait.ge @!p0 [sflag:s24], $0x400  }
0x14: {  	[sflag:s24] =	ssyncset.done @!p0 $0x0  }
0x15: {  	[sflag:s24] =	ssyncadd.s32 @!p0 $0xFFFFFC00  }
0x16: {  	[tilespmem:s3], [sflag:$0x2] =	stream.linear.gather [hbm4b:s5+s3], $0x48, $0x38;
	[tilespmem:$0x4B00] =	vst v63  }
0x17: {  	_ =	swait.ge [sflag:s11], $0x48  }
0x18: {  	[sflag:s11] =	ssyncset.done $0x0  }
0x19: {  	[sflag:s11] =	ssyncadd.s32 $0xFFFFFFB8  }
0x1a: {  	[tilespmem:s12], [sflag:$0x2] =	stream.linear.gather [hbm4b:s6+s3], $0x48, $0x38;
	[tilespmem:$0x4B00] =	vst v63  }
0x1b: {  	_ =	swait.ge [sflag:s11], $0x48  }
0x1c: {  	[sflag:s11] =	ssyncset.done $0x0  }
0x1d: {  	[sflag:s11] =	ssyncadd.s32 $0xFFFFFFB8  }
0x1e: {  	v3 =	vld [tilespmem:$0x0];
	_ =	sdelay $0x4  }
0x1f: {  	v4 =	vshll.u32 v3, $0x1  }
0x20: {  	v3 =	vand.u32 $0x7, v3;
	v4 =	vand.u32 $0xFFFFFFF0, v4  }
0x21: {  	v3 =	vor.u32 v3, v4  }
0x22: {  	v4 =	vperm.xlane v3, v0;
	_ =	sdelay $0x1  }
0x23: {  	v3 =	vperm.xlane v3, v2;
	v4 =	vadd.s32 v1, v4;
	_ =	sdelay $0x1  }
0x24: {  	v3 =	vadd.s32 v1, v3;
	_ =	sdelay $0x2  }
0x25: {  	[tilespmem:s13], [sflag:$0x1] =	stream.indirect_vreg.gather [hbm4b:s0+s3], $0x80, v4, vm0, $0xb8;
	[tilespmem:$0x4B00] =	vst v63  }
0x26: {  	_ = 	snop  }
0x27: {  	[tilespmem:s14], [sflag:$0x1] =	stream.indirect_vreg.gather [hbm4b:s0+s3], $0x80, v3, vm0, $0xb8;
	[tilespmem:$0x4B00] =	vst v63  }
0x28: {  	v3 =	vld [tilespmem:$0x10];
	_ =	sdelay $0x4  }
0x29: {  	v60 =	vshll.u32 v3, $0x1  }
0x2a: {  	v3 =	vand.u32 $0x7, v3;
	v4 =	vand.u32 $0xFFFFFFF0, v60  }
0x2b: {  	v3 =	vor.u32 v3, v4  }
0x2c: {  	v4 =	vperm.xlane v3, v0;
	_ =	sdelay $0x1  }
0x2d: {  	v3 =	vperm.xlane v3, v2;
	v4 =	vadd.s32 v1, v4;
	_ =	sdelay $0x1  }
0x2e: {  	v3 =	vadd.s32 v1, v3;
	_ =	sdelay $0x2  }
0x2f: {  	[tilespmem:s15], [sflag:$0x1] =	stream.indirect_vreg.gather [hbm4b:s0+s3], $0x80, v4, vm0, $0xb8;
	[tilespmem:$0x4B00] =	vst v63  }
0x30: {  	_ = 	snop  }
0x31: {  	[tilespmem:s16], [sflag:$0x1] =	stream.indirect_vreg.gather [hbm4b:s0+s3], $0x80, v3, vm0, $0xb8;
	[tilespmem:$0x4B00] =	vst v63  }
0x32: {  	v3 =	vld [tilespmem:$0x20];
	_ =	sdelay $0x4  }
0x33: {  	v61 =	vshll.u32 v3, $0x1  }
0x34: {  	v3 =	vand.u32 $0x7, v3;
	v4 =	vand.u32 $0xFFFFFFF0, v61  }
0x35: {  	v3 =	vor.u32 v3, v4  }
0x36: {  	v4 =	vperm.xlane v3, v0;
	_ =	sdelay $0x1  }
0x37: {  	v3 =	vperm.xlane v3, v2;
	v4 =	vadd.s32 v1, v4;
	_ =	sdelay $0x1  }
0x38: {  	v3 =	vadd.s32 v1, v3;
	_ =	sdelay $0x2  }
0x39: {  	[tilespmem:s17], [sflag:$0x1] =	stream.indirect_vreg.gather [hbm4b:s0+s3], $0x80, v4, vm0, $0xb8;
	[tilespmem:$0x4B00] =	vst v63  }
0x3a: {  	_ = 	snop  }
0x3b: {  	[tilespmem:s18], [sflag:$0x1] =	stream.indirect_vreg.gather [hbm4b:s0+s3], $0x80, v3, vm0, $0xb8;
	[tilespmem:$0x4B00] =	vst v63  }
0x3c: {  	v3 =	vld [tilespmem:$0x30];
	_ =	sdelay $0x4  }
0x3d: {  	v62 =	vshll.u32 v3, $0x1  }
0x3e: {  	v3 =	vand.u32 $0x7, v3;
	v4 =	vand.u32 $0xFFFFFFF0, v62  }
0x3f: {  	v3 =	vor.u32 v3, v4  }
0x40: {  	v4 =	vperm.xlane v3, v0;
	_ =	sdelay $0x1  }
0x41: {  	v3 =	vperm.xlane v3, v2;
	v4 =	vadd.s32 v1, v4;
	_ =	sdelay $0x1  }
0x42: {  	v3 =	vadd.s32 v1, v3;
	_ =	sdelay $0x2  }
0x43: {  	[tilespmem:s19], [sflag:$0x1] =	stream.indirect_vreg.gather [hbm4b:s0+s3], $0x80, v4, vm0, $0xb8;
	[tilespmem:$0x4B00] =	vst v63  }
0x44: {  	_ = 	snop  }
0x45: {  	[tilespmem:s20], [sflag:$0x1] =	stream.indirect_vreg.gather [hbm4b:s0+s3], $0x80, v3, vm0, $0xb8;
	[tilespmem:$0x4B00] =	vst v63  }
0x46: {  	v3 =	vld.msk [tilespmem:$0x40], $0xff;
	_ =	sdelay $0x4  }
0x47: {  	v63 =	vshll.u32 v3, $0x1  }
0x48: {  	v3 =	vand.u32 $0x7, v3;
	v4 =	vand.u32 $0xFFFFFFF0, v63  }
0x49: {  	v3 =	vor.u32 v3, v4  }
0x4a: {  	v3 =	vperm.xlane v3, v0;
	_ =	sdelay $0x1  }
0x4b: {  	v3 =	vadd.s32 v1, v3;
	_ =	sdelay $0x4  }
0x4c: {  	[tilespmem:s21], [sflag:$0x1] =	stream.indirect_vreg.gather [hbm4b:s0+s3], $0x80, v3, vm0, $0xb8;
	[tilespmem:$0x4B00] =	vst v63  }
0x4d: {  	_ =	swait.ge [sflag:s22], $0x4800  }
0x4e: {  	[sflag:s22] =	ssyncset.done $0x0  }
0x4f: {  	[sflag:s22] =	ssyncadd.s32 $0xFFFFB800  }
0x50: {  	[hbm4b:s7+s3] =	stream.linear.scatter [tilespmem:s13], [sflag:$0x2], $0x4800, $0x38;
	[tilespmem:$0x4B00] =	vst v63  }
0x51: {  	_ =	swait.ge [sflag:s11], $0x4800  }
0x52: {  	[sflag:s11] =	ssyncset.done $0x0  }
0x53: {  	[sflag:s11] =	ssyncadd.s32 $0xFFFFB800  }
0x54: {  	[bflag:$0x0] =	sbarrier.arrive $0xFFFF  }
0x55: {  	[spmem:s2] =	stream.indirect.scatter.add.f32 [tilespmem:s12], [sflag:$0x2], $0x1, s3, s23, $0xb8;
	[tilespmem:$0x4B00] =	vst v63  }
0x56: {  	_ =	swait.ge [sflag:s11], $0x48  }
0x57: {  	s26 =	simm.s32 @!p0 $0x1;
	s9 =	sadd.s32 $0xFFFFFFFF, s9;
	[sflag:s11] =	ssyncset.done $0x0  }
0x58: {  	s28 =	simm.s32 @!p0 $0x20;
	p1 =	sne.s32 s9, $0x0;
	[sflag:s11] =	ssyncadd.s32 $0xFFFFFFB8  }
.Ltmp0:
0x59: {  	s29 =	simm.s32 @!p0 $0x10;
	[bflag:$0x0] =	sbarrier.arrive $0xFFFF;
	(pc) =	sbr.rel @p1 .LBB2_1-.Ltmp0, $4  }
0x5a: {  	[hbm:s8@s28], [sflag:s25] =	dma.strided @!p0 [spmem:s10@s29], $0x400, s26, $0x10   }
0x5b: {  	_ =	swait.ge @!p0 [sflag:s24], $0x400  }
0x5c: {  	[sflag:s24] =	ssyncset.done @!p0 $0x0  }
0x5d: {  	[sflag:s24] =	ssyncadd.s32 @!p0 $0xFFFFFC00  }
0x5e: {  	_ =	sfence.sel $0x180000  }
0x5f: {  	[bflag:$0x0] =	sbarrier.arrive $0xFFFF  }
0x60: {  	_ =	strace $0x90000047  }
0x61: {  	s0 =	sadd.s32 @!p0 $0x100000, s1;
	[bflag:$0x2] =	sbarrier.arrive $0xFFFF  }
0x62: {  	[sflag:s0] =	ssyncadd.tile.s32 @!p0 $0x1;
	_ =	shalt  }
.Lfunc_end2:
_tile_overlayer_lowered:
.L_overlay_start_2:
0x63: {  	(tag) =	ssettag $0x2  }
0x64: {  	s0 =	rddreg [dreg:$0x0];
	s2 =	stileid.u32  }
0x65: {  	s1 =	rddreg [dreg:$0x1];
	p0 =	sne.s32 s2, $0x0  }
0x66: {  	s3 =	rddreg [dreg:$0x2];
	[bflag:$0x3] =	sbarrier.arrive $0xFFFF;
	s2 =	simm.s32 @!p0 $0x1C02  }
0x67: {  	[timem:s3], [sflag:s2] =	dma.local @!p0 [hbm:s0], s1  }
0x68: {  	s0 =	simm.s32 @!p0 $0x2  }
0x69: {  	_ =	swait.ge @!p0 [sflag:s0], s1  }
0x6a: {  	s1 =	ssub.s32 @!p0 $0x0, s1;
	[sflag:s0] =	ssyncset.done @!p0 $0x0  }
0x6b: {  	[sflag:s0] =	ssyncadd.s32 @!p0 s1  }
0x6c: {  	[bflag:$0x3] =	sbarrier.arrive $0xFFFF  }
0x6d: {  	_ =	shalt  }

</sc_bundles>
